<compile_context>
chip_gen: v7x
topology: tpu7x:2x2x1
jax: 0.10.2.dev20260603
libtpu: 0.0.44.dev20260713+nightly
codegen_flags: <defaults>
</compile_context>

<pallas_src>
import jax
import jax.numpy as jnp
from jax.experimental import pallas as pl
from jax.experimental.pallas import tpu as pltpu

_B = 4
_S = 8193
_D = 2048
_ROWS = _B * _S
_BLOCK = 256
_NB = (_ROWS + _BLOCK - 1) // _BLOCK
_LAST = _ROWS - (_NB - 1) * _BLOCK
_NSLOTS = 12
_NTHREADS = 2


def _onehot_body(ids_ref, out_ref, scratch, sems):
    i = pl.program_id(0)
    slot = jax.lax.rem(i, _NSLOTS)

    @pl.when(i >= _NSLOTS)
    def _wait_prev():
        old = i - _NSLOTS
        pltpu.make_async_copy(
            scratch.at[slot],
            out_ref.at[pl.ds(old * _BLOCK, _BLOCK), :],
            sems.at[slot],
        ).wait()

    ids = ids_ref[...]
    iota = jax.lax.broadcasted_iota(jnp.int32, (_BLOCK, _D), 1)
    scratch[slot] = (ids == iota).astype(jnp.float32)

    @pl.when(i < _NB - 1)
    def _copy_full():
        for s in range(_NSLOTS):
            @pl.when(slot == s)
            def _start_one():
                pltpu.make_async_copy(
                    scratch.at[s],
                    out_ref.at[pl.ds(i * _BLOCK, _BLOCK), :],
                    sems.at[s],
                ).start(priority=s % _NTHREADS)

    @pl.when(i == _NB - 1)
    def _copy_last_and_drain():
        s_last = (_NB - 1) % _NSLOTS
        pltpu.make_async_copy(
            scratch.at[s_last, pl.ds(0, _LAST), :],
            out_ref.at[pl.ds((_NB - 1) * _BLOCK, _LAST), :],
            sems.at[s_last],
        ).start(priority=s_last % _NTHREADS)
        for step in range(max(0, _NB - _NSLOTS), _NB):
            s = step % _NSLOTS
            if step == _NB - 1:
                src = scratch.at[s, pl.ds(0, _LAST), :]
                dst = out_ref.at[pl.ds(step * _BLOCK, _LAST), :]
            else:
                src = scratch.at[s]
                dst = out_ref.at[pl.ds(step * _BLOCK, _BLOCK), :]
            pltpu.make_async_copy(src, dst, sems.at[s]).wait()


def kernel(input_ids):
    padded = jnp.pad(input_ids, ((0, 0), (1, 0)), constant_values=0)
    flat = padded.reshape(-1)
    flat = jnp.pad(flat, (0, _NB * _BLOCK - _ROWS), constant_values=-1)
    ids_col = flat.reshape(_NB * _BLOCK, 1)
    out = pl.pallas_call(
        _onehot_body,
        grid=(_NB,),
        in_specs=[pl.BlockSpec((_BLOCK, 1), lambda i: (i, 0))],
        out_specs=pl.BlockSpec(memory_space=pltpu.MemorySpace.HBM),
        out_shape=jax.ShapeDtypeStruct((_ROWS, _D), jnp.float32),
        scratch_shapes=[
            pltpu.VMEM((_NSLOTS, _BLOCK, _D), jnp.float32),
            pltpu.SemaphoreType.DMA((_NSLOTS,)),
        ],
    )(ids_col)
    return out.reshape(_B, _S, _D)

# --- scband reference (transcript-rebuilt; emitter-appended) ---
"""Pipeline reference for scband-text-input-4715874091103 (READ-ONLY COPY).

The authoritative reference and input builder live on the scoring server;
editing this copy changes nothing except your own understanding.
"""

import jax, jax.numpy as jnp
import numpy as np

N_VOCAB_IN = 2048
D_MODEL = 2048
BOS = 0

def setup_inputs(seed: int = 0) -> dict:
    key = jax.random.key(seed)
    input_ids = jax.random.randint(key, (4, 8192), 0, N_VOCAB_IN, dtype=jnp.int64 if jax.config.jax_enable_x64 else jnp.int32)
    return {"input_ids": input_ids}

def reference(input_ids):
    # pad(input_ids, (1, 0), 'constant', bos): prepend bos along last dim
    padded = jnp.pad(input_ids, ((0, 0), (1, 0)), mode='constant', constant_values=BOS)
    # one_hot(..., d_model).float()
    out = jax.nn.one_hot(padded, D_MODEL, dtype=jnp.float32)
    return out

if __name__ == "__main__":
    import jax
    _d = setup_inputs()
    print(jax.jit(kernel)(*tuple(_d.values())))

</pallas_src>

<mosaic_0001>
module attributes {stable_mosaic.version = 14 : i64} {
  func.func @_onehot_body(%arg0: i32, %arg1: memref<256x1xi32, #tpu.memory_space<vmem>>, %arg2: memref<32772x2048xf32, #tpu.memory_space<hbm>>, %arg3: memref<12x256x2048xf32, #tpu.memory_space<vmem>>, %arg4: memref<12x!tpu.dma_semaphore, #tpu.memory_space<semaphore_mem>>) attributes {dimension_semantics = [#tpu.dimension_semantics<arbitrary>], iteration_bounds = array<i64: 129>, scalar_prefetch = 0 : i64, scratch_operands = 2 : i64, tpu.core_type = #tpu.core_type<tc>, window_params = [{transform_indices = @transform_0, window_bounds = array<i64: 256, 1>}, {}]} {
    %rem3A = arith.constant 12 : i32
    %rem3A_0 = arith.remsi %arg0, %rem3A : i32
    %ge3A = arith.constant 12 : i32
    %ge3A_1 = arith.cmpi sge, %arg0, %ge3A : i32
    %convert_element_type3A = arith.extui %ge3A_1 : i1 to i32
    %cond3A = arith.constant 0 : i32
    %cond3A_2 = arith.cmpi ne, %convert_element_type3A, %cond3A : i32
    scf.if %cond3A_2 {
      %sub3A = arith.constant 12 : i32
      %sub3A_22 = arith.subi %arg0, %sub3A : i32
      %mul3A = arith.constant 256 : i32
      %mul3A_23 = arith.muli %sub3A_22, %mul3A : i32
      %dma_wait3A = tpu.memref_slice %arg4[%rem3A_0] : memref<12x!tpu.dma_semaphore, #tpu.memory_space<semaphore_mem>> -> memref<1x!tpu.dma_semaphore, #tpu.memory_space<semaphore_mem>>
      %dma_wait3A_24 = tpu.memref_squeeze %dma_wait3A : memref<1x!tpu.dma_semaphore, #tpu.memory_space<semaphore_mem>> -> memref<!tpu.dma_semaphore, #tpu.memory_space<semaphore_mem>>
      %dma_wait3A_25 = arith.constant 0 : i32
      %dma_wait3A_26 = tpu.memref_slice %arg2[%mul3A_23, %dma_wait3A_25] : memref<32772x2048xf32, #tpu.memory_space<hbm>> -> memref<256x2048xf32, #tpu.memory_space<hbm>>
      %dma_wait3A_27 = arith.constant 0 : i32
      %dma_wait3A_28 = arith.constant 0 : i32
      %dma_wait3A_29 = tpu.memref_slice %arg3[%rem3A_0, %dma_wait3A_27, %dma_wait3A_28] : memref<12x256x2048xf32, #tpu.memory_space<vmem>> -> memref<1x256x2048xf32, #tpu.memory_space<vmem>>
      %dma_wait3A_30 = tpu.memref_squeeze %dma_wait3A_29 : memref<1x256x2048xf32, #tpu.memory_space<vmem>> -> memref<256x2048xf32, #tpu.memory_space<vmem>>
      tpu.wait_dma2 semaphore(%dma_wait3A_24 : memref<!tpu.dma_semaphore, #tpu.memory_space<semaphore_mem>>) src(%dma_wait3A_30 : memref<256x2048xf32, #tpu.memory_space<vmem>>) dst(%dma_wait3A_26 : memref<256x2048xf32, #tpu.memory_space<hbm>>)
    } else {
    }
    %get3A = arith.constant 0 : index
    %get3A_3 = arith.constant 0 : index
    %get3A_4 = vector.load %arg1[%get3A, %get3A_3] : memref<256x1xi32, #tpu.memory_space<vmem>>, vector<256x1xi32>
    %iota3A = tpu.iota {dimensions = array<i32: 1>} : vector<256x2048xi32>
    %eq3A = vector.broadcast %get3A_4 : vector<256x1xi32> to vector<256x2048xi32>
    %eq3A_5 = arith.cmpi eq, %eq3A, %iota3A : vector<256x2048xi32>
    %convert_element_type3A_6 = arith.extui %eq3A_5 : vector<256x2048xi1> to vector<256x2048xi32>
    %convert_element_type3A_7 = arith.sitofp %convert_element_type3A_6 : vector<256x2048xi32> to vector<256x2048xf32>
    %swap3A = arith.index_cast %rem3A_0 : i32 to index
    %swap3A_8 = arith.constant 0 : index
    %swap3A_9 = arith.constant 0 : index
    %swap3A_10 = vector.load %arg3[%swap3A, %swap3A_8, %swap3A_9] : memref<12x256x2048xf32, #tpu.memory_space<vmem>>, vector<1x256x2048xf32>
    %swap3A_11 = vector.shape_cast %swap3A_10 : vector<1x256x2048xf32> to vector<256x2048xf32>
    %swap3A_12 = vector.shape_cast %convert_element_type3A_7 : vector<256x2048xf32> to vector<1x256x2048xf32>
    tpu.vector_store %arg3[%swap3A, %swap3A_8, %swap3A_9], %swap3A_12 {strides = array<i32>} : memref<12x256x2048xf32, #tpu.memory_space<vmem>>, vector<1x256x2048xf32>,
    %lt3A = arith.constant 128 : i32
    %lt3A_13 = arith.cmpi slt, %arg0, %lt3A : i32
    %convert_element_type3A_14 = arith.extui %lt3A_13 : i1 to i32
    %cond3A_15 = arith.constant 0 : i32
    %cond3A_16 = arith.cmpi ne, %convert_element_type3A_14, %cond3A_15 : i32
    scf.if %cond3A_16 {
      %eq3A_22 = arith.constant 0 : i32
      %eq3A_23 = arith.cmpi eq, %rem3A_0, %eq3A_22 : i32
      %convert_element_type3A_24 = arith.extui %eq3A_23 : i1 to i32
      %cond3A_25 = arith.constant 0 : i32
      %cond3A_26 = arith.cmpi ne, %convert_element_type3A_24, %cond3A_25 : i32
      scf.if %cond3A_26 {
        %mul3A = arith.constant 256 : i32
        %mul3A_82 = arith.muli %arg0, %mul3A : i32
        %dma_start3A = arith.constant 0 : i32
        %dma_start3A_83 = arith.constant 0 : i32
        %dma_start3A_84 = tpu.memref_slice %arg4[%dma_start3A_83] : memref<12x!tpu.dma_semaphore, #tpu.memory_space<semaphore_mem>> -> memref<1x!tpu.dma_semaphore, #tpu.memory_space<semaphore_mem>>
        %dma_start3A_85 = tpu.memref_squeeze %dma_start3A_84 : memref<1x!tpu.dma_semaphore, #tpu.memory_space<semaphore_mem>> -> memref<!tpu.dma_semaphore, #tpu.memory_space<semaphore_mem>>
        %dma_start3A_86 = arith.constant 0 : i32
        %dma_start3A_87 = tpu.memref_slice %arg2[%mul3A_82, %dma_start3A_86] : memref<32772x2048xf32, #tpu.memory_space<hbm>> -> memref<256x2048xf32, #tpu.memory_space<hbm>>
        %dma_start3A_88 = arith.constant 0 : i32
        %dma_start3A_89 = arith.constant 0 : i32
        %dma_start3A_90 = tpu.memref_slice %arg3[%dma_start3A, %dma_start3A_88, %dma_start3A_89] : memref<12x256x2048xf32, #tpu.memory_space<vmem>> -> memref<1x256x2048xf32, #tpu.memory_space<vmem>>
        %dma_start3A_91 = tpu.memref_squeeze %dma_start3A_90 : memref<1x256x2048xf32, #tpu.memory_space<vmem>> -> memref<256x2048xf32, #tpu.memory_space<vmem>>
        tpu.enqueue_dma source(%dma_start3A_91 : memref<256x2048xf32, #tpu.memory_space<vmem>>) target(%dma_start3A_87 : memref<256x2048xf32, #tpu.memory_space<hbm>>) target_semaphore(%dma_start3A_85 : memref<!tpu.dma_semaphore, #tpu.memory_space<semaphore_mem>>)
      } else {
      }
      %eq3A_27 = arith.constant 1 : i32
      %eq3A_28 = arith.cmpi eq, %rem3A_0, %eq3A_27 : i32
      %convert_element_type3A_29 = arith.extui %eq3A_28 : i1 to i32
      %cond3A_30 = arith.constant 0 : i32
      %cond3A_31 = arith.cmpi ne, %convert_element_type3A_29, %cond3A_30 : i32
      scf.if %cond3A_31 {
        %mul3A = arith.constant 256 : i32
        %mul3A_82 = arith.muli %arg0, %mul3A : i32
        %dma_start3A = arith.constant 1 : i32
        %dma_start3A_83 = arith.constant 1 : i32
        %dma_start3A_84 = tpu.memref_slice %arg4[%dma_start3A_83] : memref<12x!tpu.dma_semaphore, #tpu.memory_space<semaphore_mem>> -> memref<1x!tpu.dma_semaphore, #tpu.memory_space<semaphore_mem>>
        %dma_start3A_85 = tpu.memref_squeeze %dma_start3A_84 : memref<1x!tpu.dma_semaphore, #tpu.memory_space<semaphore_mem>> -> memref<!tpu.dma_semaphore, #tpu.memory_space<semaphore_mem>>
        %dma_start3A_86 = arith.constant 0 : i32
        %dma_start3A_87 = tpu.memref_slice %arg2[%mul3A_82, %dma_start3A_86] : memref<32772x2048xf32, #tpu.memory_space<hbm>> -> memref<256x2048xf32, #tpu.memory_space<hbm>>
        %dma_start3A_88 = arith.constant 0 : i32
        %dma_start3A_89 = arith.constant 0 : i32
        %dma_start3A_90 = tpu.memref_slice %arg3[%dma_start3A, %dma_start3A_88, %dma_start3A_89] : memref<12x256x2048xf32, #tpu.memory_space<vmem>> -> memref<1x256x2048xf32, #tpu.memory_space<vmem>>
        %dma_start3A_91 = tpu.memref_squeeze %dma_start3A_90 : memref<1x256x2048xf32, #tpu.memory_space<vmem>> -> memref<256x2048xf32, #tpu.memory_space<vmem>>
        tpu.enqueue_dma source(%dma_start3A_91 : memref<256x2048xf32, #tpu.memory_space<vmem>>) target(%dma_start3A_87 : memref<256x2048xf32, #tpu.memory_space<hbm>>) target_semaphore(%dma_start3A_85 : memref<!tpu.dma_semaphore, #tpu.memory_space<semaphore_mem>>) {priority = 1 : i32}
      } else {
      }
      %eq3A_32 = arith.constant 2 : i32
      %eq3A_33 = arith.cmpi eq, %rem3A_0, %eq3A_32 : i32
      %convert_element_type3A_34 = arith.extui %eq3A_33 : i1 to i32
      %cond3A_35 = arith.constant 0 : i32
      %cond3A_36 = arith.cmpi ne, %convert_element_type3A_34, %cond3A_35 : i32
      scf.if %cond3A_36 {
        %mul3A = arith.constant 256 : i32
        %mul3A_82 = arith.muli %arg0, %mul3A : i32
        %dma_start3A = arith.constant 2 : i32
        %dma_start3A_83 = arith.constant 2 : i32
        %dma_start3A_84 = tpu.memref_slice %arg4[%dma_start3A_83] : memref<12x!tpu.dma_semaphore, #tpu.memory_space<semaphore_mem>> -> memref<1x!tpu.dma_semaphore, #tpu.memory_space<semaphore_mem>>
        %dma_start3A_85 = tpu.memref_squeeze %dma_start3A_84 : memref<1x!tpu.dma_semaphore, #tpu.memory_space<semaphore_mem>> -> memref<!tpu.dma_semaphore, #tpu.memory_space<semaphore_mem>>
        %dma_start3A_86 = arith.constant 0 : i32
        %dma_start3A_87 = tpu.memref_slice %arg2[%mul3A_82, %dma_start3A_86] : memref<32772x2048xf32, #tpu.memory_space<hbm>> -> memref<256x2048xf32, #tpu.memory_space<hbm>>
        %dma_start3A_88 = arith.constant 0 : i32
        %dma_start3A_89 = arith.constant 0 : i32
        %dma_start3A_90 = tpu.memref_slice %arg3[%dma_start3A, %dma_start3A_88, %dma_start3A_89] : memref<12x256x2048xf32, #tpu.memory_space<vmem>> -> memref<1x256x2048xf32, #tpu.memory_space<vmem>>
        %dma_start3A_91 = tpu.memref_squeeze %dma_start3A_90 : memref<1x256x2048xf32, #tpu.memory_space<vmem>> -> memref<256x2048xf32, #tpu.memory_space<vmem>>
        tpu.enqueue_dma source(%dma_start3A_91 : memref<256x2048xf32, #tpu.memory_space<vmem>>) target(%dma_start3A_87 : memref<256x2048xf32, #tpu.memory_space<hbm>>) target_semaphore(%dma_start3A_85 : memref<!tpu.dma_semaphore, #tpu.memory_space<semaphore_mem>>)
      } else {
      }
      %eq3A_37 = arith.constant 3 : i32
      %eq3A_38 = arith.cmpi eq, %rem3A_0, %eq3A_37 : i32
      %convert_element_type3A_39 = arith.extui %eq3A_38 : i1 to i32
      %cond3A_40 = arith.constant 0 : i32
      %cond3A_41 = arith.cmpi ne, %convert_element_type3A_39, %cond3A_40 : i32
      scf.if %cond3A_41 {
        %mul3A = arith.constant 256 : i32
        %mul3A_82 = arith.muli %arg0, %mul3A : i32
        %dma_start3A = arith.constant 3 : i32
        %dma_start3A_83 = arith.constant 3 : i32
        %dma_start3A_84 = tpu.memref_slice %arg4[%dma_start3A_83] : memref<12x!tpu.dma_semaphore, #tpu.memory_space<semaphore_mem>> -> memref<1x!tpu.dma_semaphore, #tpu.memory_space<semaphore_mem>>
        %dma_start3A_85 = tpu.memref_squeeze %dma_start3A_84 : memref<1x!tpu.dma_semaphore, #tpu.memory_space<semaphore_mem>> -> memref<!tpu.dma_semaphore, #tpu.memory_space<semaphore_mem>>
        %dma_start3A_86 = arith.constant 0 : i32
        %dma_start3A_87 = tpu.memref_slice %arg2[%mul3A_82, %dma_start3A_86] : memref<32772x2048xf32, #tpu.memory_space<hbm>> -> memref<256x2048xf32, #tpu.memory_space<hbm>>
        %dma_start3A_88 = arith.constant 0 : i32
        %dma_start3A_89 = arith.constant 0 : i32
        %dma_start3A_90 = tpu.memref_slice %arg3[%dma_start3A, %dma_start3A_88, %dma_start3A_89] : memref<12x256x2048xf32, #tpu.memory_space<vmem>> -> memref<1x256x2048xf32, #tpu.memory_space<vmem>>
        %dma_start3A_91 = tpu.memref_squeeze %dma_start3A_90 : memref<1x256x2048xf32, #tpu.memory_space<vmem>> -> memref<256x2048xf32, #tpu.memory_space<vmem>>
        tpu.enqueue_dma source(%dma_start3A_91 : memref<256x2048xf32, #tpu.memory_space<vmem>>) target(%dma_start3A_87 : memref<256x2048xf32, #tpu.memory_space<hbm>>) target_semaphore(%dma_start3A_85 : memref<!tpu.dma_semaphore, #tpu.memory_space<semaphore_mem>>) {priority = 1 : i32}
      } else {
      }
      %eq3A_42 = arith.constant 4 : i32
      %eq3A_43 = arith.cmpi eq, %rem3A_0, %eq3A_42 : i32
      %convert_element_type3A_44 = arith.extui %eq3A_43 : i1 to i32
      %cond3A_45 = arith.constant 0 : i32
      %cond3A_46 = arith.cmpi ne, %convert_element_type3A_44, %cond3A_45 : i32
      scf.if %cond3A_46 {
        %mul3A = arith.constant 256 : i32
        %mul3A_82 = arith.muli %arg0, %mul3A : i32
        %dma_start3A = arith.constant 4 : i32
        %dma_start3A_83 = arith.constant 4 : i32
        %dma_start3A_84 = tpu.memref_slice %arg4[%dma_start3A_83] : memref<12x!tpu.dma_semaphore, #tpu.memory_space<semaphore_mem>> -> memref<1x!tpu.dma_semaphore, #tpu.memory_space<semaphore_mem>>
        %dma_start3A_85 = tpu.memref_squeeze %dma_start3A_84 : memref<1x!tpu.dma_semaphore, #tpu.memory_space<semaphore_mem>> -> memref<!tpu.dma_semaphore, #tpu.memory_space<semaphore_mem>>
        %dma_start3A_86 = arith.constant 0 : i32
        %dma_start3A_87 = tpu.memref_slice %arg2[%mul3A_82, %dma_start3A_86] : memref<32772x2048xf32, #tpu.memory_space<hbm>> -> memref<256x2048xf32, #tpu.memory_space<hbm>>
        %dma_start3A_88 = arith.constant 0 : i32
        %dma_start3A_89 = arith.constant 0 : i32
        %dma_start3A_90 = tpu.memref_slice %arg3[%dma_start3A, %dma_start3A_88, %dma_start3A_89] : memref<12x256x2048xf32, #tpu.memory_space<vmem>> -> memref<1x256x2048xf32, #tpu.memory_space<vmem>>
        %dma_start3A_91 = tpu.memref_squeeze %dma_start3A_90 : memref<1x256x2048xf32, #tpu.memory_space<vmem>> -> memref<256x2048xf32, #tpu.memory_space<vmem>>
        tpu.enqueue_dma source(%dma_start3A_91 : memref<256x2048xf32, #tpu.memory_space<vmem>>) target(%dma_start3A_87 : memref<256x2048xf32, #tpu.memory_space<hbm>>) target_semaphore(%dma_start3A_85 : memref<!tpu.dma_semaphore, #tpu.memory_space<semaphore_mem>>)
      } else {
      }
      %eq3A_47 = arith.constant 5 : i32
      %eq3A_48 = arith.cmpi eq, %rem3A_0, %eq3A_47 : i32
      %convert_element_type3A_49 = arith.extui %eq3A_48 : i1 to i32
      %cond3A_50 = arith.constant 0 : i32
      %cond3A_51 = arith.cmpi ne, %convert_element_type3A_49, %cond3A_50 : i32
      scf.if %cond3A_51 {
        %mul3A = arith.constant 256 : i32
        %mul3A_82 = arith.muli %arg0, %mul3A : i32
        %dma_start3A = arith.constant 5 : i32
        %dma_start3A_83 = arith.constant 5 : i32
        %dma_start3A_84 = tpu.memref_slice %arg4[%dma_start3A_83] : memref<12x!tpu.dma_semaphore, #tpu.memory_space<semaphore_mem>> -> memref<1x!tpu.dma_semaphore, #tpu.memory_space<semaphore_mem>>
        %dma_start3A_85 = tpu.memref_squeeze %dma_start3A_84 : memref<1x!tpu.dma_semaphore, #tpu.memory_space<semaphore_mem>> -> memref<!tpu.dma_semaphore, #tpu.memory_space<semaphore_mem>>
        %dma_start3A_86 = arith.constant 0 : i32
        %dma_start3A_87 = tpu.memref_slice %arg2[%mul3A_82, %dma_start3A_86] : memref<32772x2048xf32, #tpu.memory_space<hbm>> -> memref<256x2048xf32, #tpu.memory_space<hbm>>
        %dma_start3A_88 = arith.constant 0 : i32
        %dma_start3A_89 = arith.constant 0 : i32
        %dma_start3A_90 = tpu.memref_slice %arg3[%dma_start3A, %dma_start3A_88, %dma_start3A_89] : memref<12x256x2048xf32, #tpu.memory_space<vmem>> -> memref<1x256x2048xf32, #tpu.memory_space<vmem>>
        %dma_start3A_91 = tpu.memref_squeeze %dma_start3A_90 : memref<1x256x2048xf32, #tpu.memory_space<vmem>> -> memref<256x2048xf32, #tpu.memory_space<vmem>>
        tpu.enqueue_dma source(%dma_start3A_91 : memref<256x2048xf32, #tpu.memory_space<vmem>>) target(%dma_start3A_87 : memref<256x2048xf32, #tpu.memory_space<hbm>>) target_semaphore(%dma_start3A_85 : memref<!tpu.dma_semaphore, #tpu.memory_space<semaphore_mem>>) {priority = 1 : i32}
      } else {
      }
      %eq3A_52 = arith.constant 6 : i32
      %eq3A_53 = arith.cmpi eq, %rem3A_0, %eq3A_52 : i32
      %convert_element_type3A_54 = arith.extui %eq3A_53 : i1 to i32
      %cond3A_55 = arith.constant 0 : i32
      %cond3A_56 = arith.cmpi ne, %convert_element_type3A_54, %cond3A_55 : i32
      scf.if %cond3A_56 {
        %mul3A = arith.constant 256 : i32
        %mul3A_82 = arith.muli %arg0, %mul3A : i32
        %dma_start3A = arith.constant 6 : i32
        %dma_start3A_83 = arith.constant 6 : i32
        %dma_start3A_84 = tpu.memref_slice %arg4[%dma_start3A_83] : memref<12x!tpu.dma_semaphore, #tpu.memory_space<semaphore_mem>> -> memref<1x!tpu.dma_semaphore, #tpu.memory_space<semaphore_mem>>
        %dma_start3A_85 = tpu.memref_squeeze %dma_start3A_84 : memref<1x!tpu.dma_semaphore, #tpu.memory_space<semaphore_mem>> -> memref<!tpu.dma_semaphore, #tpu.memory_space<semaphore_mem>>
        %dma_start3A_86 = arith.constant 0 : i32
        %dma_start3A_87 = tpu.memref_slice %arg2[%mul3A_82, %dma_start3A_86] : memref<32772x2048xf32, #tpu.memory_space<hbm>> -> memref<256x2048xf32, #tpu.memory_space<hbm>>
        %dma_start3A_88 = arith.constant 0 : i32
        %dma_start3A_89 = arith.constant 0 : i32
        %dma_start3A_90 = tpu.memref_slice %arg3[%dma_start3A, %dma_start3A_88, %dma_start3A_89] : memref<12x256x2048xf32, #tpu.memory_space<vmem>> -> memref<1x256x2048xf32, #tpu.memory_space<vmem>>
        %dma_start3A_91 = tpu.memref_squeeze %dma_start3A_90 : memref<1x256x2048xf32, #tpu.memory_space<vmem>> -> memref<256x2048xf32, #tpu.memory_space<vmem>>
        tpu.enqueue_dma source(%dma_start3A_91 : memref<256x2048xf32, #tpu.memory_space<vmem>>) target(%dma_start3A_87 : memref<256x2048xf32, #tpu.memory_space<hbm>>) target_semaphore(%dma_start3A_85 : memref<!tpu.dma_semaphore, #tpu.memory_space<semaphore_mem>>)
      } else {
      }
      %eq3A_57 = arith.constant 7 : i32
      %eq3A_58 = arith.cmpi eq, %rem3A_0, %eq3A_57 : i32
      %convert_element_type3A_59 = arith.extui %eq3A_58 : i1 to i32
      %cond3A_60 = arith.constant 0 : i32
      %cond3A_61 = arith.cmpi ne, %convert_element_type3A_59, %cond3A_60 : i32
      scf.if %cond3A_61 {
        %mul3A = arith.constant 256 : i32
        %mul3A_82 = arith.muli %arg0, %mul3A : i32
        %dma_start3A = arith.constant 7 : i32
        %dma_start3A_83 = arith.constant 7 : i32
        %dma_start3A_84 = tpu.memref_slice %arg4[%dma_start3A_83] : memref<12x!tpu.dma_semaphore, #tpu.memory_space<semaphore_mem>> -> memref<1x!tpu.dma_semaphore, #tpu.memory_space<semaphore_mem>>
        %dma_start3A_85 = tpu.memref_squeeze %dma_start3A_84 : memref<1x!tpu.dma_semaphore, #tpu.memory_space<semaphore_mem>> -> memref<!tpu.dma_semaphore, #tpu.memory_space<semaphore_mem>>
        %dma_start3A_86 = arith.constant 0 : i32
        %dma_start3A_87 = tpu.memref_slice %arg2[%mul3A_82, %dma_start3A_86] : memref<32772x2048xf32, #tpu.memory_space<hbm>> -> memref<256x2048xf32, #tpu.memory_space<hbm>>
        %dma_start3A_88 = arith.constant 0 : i32
        %dma_start3A_89 = arith.constant 0 : i32
        %dma_start3A_90 = tpu.memref_slice %arg3[%dma_start3A, %dma_start3A_88, %dma_start3A_89] : memref<12x256x2048xf32, #tpu.memory_space<vmem>> -> memref<1x256x2048xf32, #tpu.memory_space<vmem>>
        %dma_start3A_91 = tpu.memref_squeeze %dma_start3A_90 : memref<1x256x2048xf32, #tpu.memory_space<vmem>> -> memref<256x2048xf32, #tpu.memory_space<vmem>>
        tpu.enqueue_dma source(%dma_start3A_91 : memref<256x2048xf32, #tpu.memory_space<vmem>>) target(%dma_start3A_87 : memref<256x2048xf32, #tpu.memory_space<hbm>>) target_semaphore(%dma_start3A_85 : memref<!tpu.dma_semaphore, #tpu.memory_space<semaphore_mem>>) {priority = 1 : i32}
      } else {
      }
      %eq3A_62 = arith.constant 8 : i32
      %eq3A_63 = arith.cmpi eq, %rem3A_0, %eq3A_62 : i32
      %convert_element_type3A_64 = arith.extui %eq3A_63 : i1 to i32
      %cond3A_65 = arith.constant 0 : i32
      %cond3A_66 = arith.cmpi ne, %convert_element_type3A_64, %cond3A_65 : i32
      scf.if %cond3A_66 {
        %mul3A = arith.constant 256 : i32
        %mul3A_82 = arith.muli %arg0, %mul3A : i32
        %dma_start3A = arith.constant 8 : i32
        %dma_start3A_83 = arith.constant 8 : i32
        %dma_start3A_84 = tpu.memref_slice %arg4[%dma_start3A_83] : memref<12x!tpu.dma_semaphore, #tpu.memory_space<semaphore_mem>> -> memref<1x!tpu.dma_semaphore, #tpu.memory_space<semaphore_mem>>
        %dma_start3A_85 = tpu.memref_squeeze %dma_start3A_84 : memref<1x!tpu.dma_semaphore, #tpu.memory_space<semaphore_mem>> -> memref<!tpu.dma_semaphore, #tpu.memory_space<semaphore_mem>>
        %dma_start3A_86 = arith.constant 0 : i32
        %dma_start3A_87 = tpu.memref_slice %arg2[%mul3A_82, %dma_start3A_86] : memref<32772x2048xf32, #tpu.memory_space<hbm>> -> memref<256x2048xf32, #tpu.memory_space<hbm>>
        %dma_start3A_88 = arith.constant 0 : i32
        %dma_start3A_89 = arith.constant 0 : i32
        %dma_start3A_90 = tpu.memref_slice %arg3[%dma_start3A, %dma_start3A_88, %dma_start3A_89] : memref<12x256x2048xf32, #tpu.memory_space<vmem>> -> memref<1x256x2048xf32, #tpu.memory_space<vmem>>
        %dma_start3A_91 = tpu.memref_squeeze %dma_start3A_90 : memref<1x256x2048xf32, #tpu.memory_space<vmem>> -> memref<256x2048xf32, #tpu.memory_space<vmem>>
        tpu.enqueue_dma source(%dma_start3A_91 : memref<256x2048xf32, #tpu.memory_space<vmem>>) target(%dma_start3A_87 : memref<256x2048xf32, #tpu.memory_space<hbm>>) target_semaphore(%dma_start3A_85 : memref<!tpu.dma_semaphore, #tpu.memory_space<semaphore_mem>>)
      } else {
      }
      %eq3A_67 = arith.constant 9 : i32
      %eq3A_68 = arith.cmpi eq, %rem3A_0, %eq3A_67 : i32
      %convert_element_type3A_69 = arith.extui %eq3A_68 : i1 to i32
      %cond3A_70 = arith.constant 0 : i32
      %cond3A_71 = arith.cmpi ne, %convert_element_type3A_69, %cond3A_70 : i32
      scf.if %cond3A_71 {
        %mul3A = arith.constant 256 : i32
        %mul3A_82 = arith.muli %arg0, %mul3A : i32
        %dma_start3A = arith.constant 9 : i32
        %dma_start3A_83 = arith.constant 9 : i32
        %dma_start3A_84 = tpu.memref_slice %arg4[%dma_start3A_83] : memref<12x!tpu.dma_semaphore, #tpu.memory_space<semaphore_mem>> -> memref<1x!tpu.dma_semaphore, #tpu.memory_space<semaphore_mem>>
        %dma_start3A_85 = tpu.memref_squeeze %dma_start3A_84 : memref<1x!tpu.dma_semaphore, #tpu.memory_space<semaphore_mem>> -> memref<!tpu.dma_semaphore, #tpu.memory_space<semaphore_mem>>
        %dma_start3A_86 = arith.constant 0 : i32
        %dma_start3A_87 = tpu.memref_slice %arg2[%mul3A_82, %dma_start3A_86] : memref<32772x2048xf32, #tpu.memory_space<hbm>> -> memref<256x2048xf32, #tpu.memory_space<hbm>>
        %dma_start3A_88 = arith.constant 0 : i32
        %dma_start3A_89 = arith.constant 0 : i32
        %dma_start3A_90 = tpu.memref_slice %arg3[%dma_start3A, %dma_start3A_88, %dma_start3A_89] : memref<12x256x2048xf32, #tpu.memory_space<vmem>> -> memref<1x256x2048xf32, #tpu.memory_space<vmem>>
        %dma_start3A_91 = tpu.memref_squeeze %dma_start3A_90 : memref<1x256x2048xf32, #tpu.memory_space<vmem>> -> memref<256x2048xf32, #tpu.memory_space<vmem>>
        tpu.enqueue_dma source(%dma_start3A_91 : memref<256x2048xf32, #tpu.memory_space<vmem>>) target(%dma_start3A_87 : memref<256x2048xf32, #tpu.memory_space<hbm>>) target_semaphore(%dma_start3A_85 : memref<!tpu.dma_semaphore, #tpu.memory_space<semaphore_mem>>) {priority = 1 : i32}
      } else {
      }
      %eq3A_72 = arith.constant 10 : i32
      %eq3A_73 = arith.cmpi eq, %rem3A_0, %eq3A_72 : i32
      %convert_element_type3A_74 = arith.extui %eq3A_73 : i1 to i32
      %cond3A_75 = arith.constant 0 : i32
      %cond3A_76 = arith.cmpi ne, %convert_element_type3A_74, %cond3A_75 : i32
      scf.if %cond3A_76 {
        %mul3A = arith.constant 256 : i32
        %mul3A_82 = arith.muli %arg0, %mul3A : i32
        %dma_start3A = arith.constant 10 : i32
        %dma_start3A_83 = arith.constant 10 : i32
        %dma_start3A_84 = tpu.memref_slice %arg4[%dma_start3A_83] : memref<12x!tpu.dma_semaphore, #tpu.memory_space<semaphore_mem>> -> memref<1x!tpu.dma_semaphore, #tpu.memory_space<semaphore_mem>>
        %dma_start3A_85 = tpu.memref_squeeze %dma_start3A_84 : memref<1x!tpu.dma_semaphore, #tpu.memory_space<semaphore_mem>> -> memref<!tpu.dma_semaphore, #tpu.memory_space<semaphore_mem>>
        %dma_start3A_86 = arith.constant 0 : i32
        %dma_start3A_87 = tpu.memref_slice %arg2[%mul3A_82, %dma_start3A_86] : memref<32772x2048xf32, #tpu.memory_space<hbm>> -> memref<256x2048xf32, #tpu.memory_space<hbm>>
        %dma_start3A_88 = arith.constant 0 : i32
        %dma_start3A_89 = arith.constant 0 : i32
        %dma_start3A_90 = tpu.memref_slice %arg3[%dma_start3A, %dma_start3A_88, %dma_start3A_89] : memref<12x256x2048xf32, #tpu.memory_space<vmem>> -> memref<1x256x2048xf32, #tpu.memory_space<vmem>>
        %dma_start3A_91 = tpu.memref_squeeze %dma_start3A_90 : memref<1x256x2048xf32, #tpu.memory_space<vmem>> -> memref<256x2048xf32, #tpu.memory_space<vmem>>
        tpu.enqueue_dma source(%dma_start3A_91 : memref<256x2048xf32, #tpu.memory_space<vmem>>) target(%dma_start3A_87 : memref<256x2048xf32, #tpu.memory_space<hbm>>) target_semaphore(%dma_start3A_85 : memref<!tpu.dma_semaphore, #tpu.memory_space<semaphore_mem>>)
      } else {
      }
      %eq3A_77 = arith.constant 11 : i32
      %eq3A_78 = arith.cmpi eq, %rem3A_0, %eq3A_77 : i32
      %convert_element_type3A_79 = arith.extui %eq3A_78 : i1 to i32
      %cond3A_80 = arith.constant 0 : i32
      %cond3A_81 = arith.cmpi ne, %convert_element_type3A_79, %cond3A_80 : i32
      scf.if %cond3A_81 {
        %mul3A = arith.constant 256 : i32
        %mul3A_82 = arith.muli %arg0, %mul3A : i32
        %dma_start3A = arith.constant 11 : i32
        %dma_start3A_83 = arith.constant 11 : i32
        %dma_start3A_84 = tpu.memref_slice %arg4[%dma_start3A_83] : memref<12x!tpu.dma_semaphore, #tpu.memory_space<semaphore_mem>> -> memref<1x!tpu.dma_semaphore, #tpu.memory_space<semaphore_mem>>
        %dma_start3A_85 = tpu.memref_squeeze %dma_start3A_84 : memref<1x!tpu.dma_semaphore, #tpu.memory_space<semaphore_mem>> -> memref<!tpu.dma_semaphore, #tpu.memory_space<semaphore_mem>>
        %dma_start3A_86 = arith.constant 0 : i32
        %dma_start3A_87 = tpu.memref_slice %arg2[%mul3A_82, %dma_start3A_86] : memref<32772x2048xf32, #tpu.memory_space<hbm>> -> memref<256x2048xf32, #tpu.memory_space<hbm>>
        %dma_start3A_88 = arith.constant 0 : i32
        %dma_start3A_89 = arith.constant 0 : i32
        %dma_start3A_90 = tpu.memref_slice %arg3[%dma_start3A, %dma_start3A_88, %dma_start3A_89] : memref<12x256x2048xf32, #tpu.memory_space<vmem>> -> memref<1x256x2048xf32, #tpu.memory_space<vmem>>
        %dma_start3A_91 = tpu.memref_squeeze %dma_start3A_90 : memref<1x256x2048xf32, #tpu.memory_space<vmem>> -> memref<256x2048xf32, #tpu.memory_space<vmem>>
        tpu.enqueue_dma source(%dma_start3A_91 : memref<256x2048xf32, #tpu.memory_space<vmem>>) target(%dma_start3A_87 : memref<256x2048xf32, #tpu.memory_space<hbm>>) target_semaphore(%dma_start3A_85 : memref<!tpu.dma_semaphore, #tpu.memory_space<semaphore_mem>>) {priority = 1 : i32}
      } else {
      }
    } else {
    }
    %eq3A_17 = arith.constant 128 : i32
    %eq3A_18 = arith.cmpi eq, %arg0, %eq3A_17 : i32
    %convert_element_type3A_19 = arith.extui %eq3A_18 : i1 to i32
    %cond3A_20 = arith.constant 0 : i32
    %cond3A_21 = arith.cmpi ne, %convert_element_type3A_19, %cond3A_20 : i32
    scf.if %cond3A_21 {
      %dma_start3A = arith.constant 8 : i32
      %dma_start3A_22 = arith.constant 8 : i32
      %dma_start3A_23 = tpu.memref_slice %arg4[%dma_start3A_22] : memref<12x!tpu.dma_semaphore, #tpu.memory_space<semaphore_mem>> -> memref<1x!tpu.dma_semaphore, #tpu.memory_space<semaphore_mem>>
      %dma_start3A_24 = tpu.memref_squeeze %dma_start3A_23 : memref<1x!tpu.dma_semaphore, #tpu.memory_space<semaphore_mem>> -> memref<!tpu.dma_semaphore, #tpu.memory_space<semaphore_mem>>
      %dma_start3A_25 = arith.constant 32768 : i32
      %dma_start3A_26 = arith.constant 0 : i32
      %dma_start3A_27 = tpu.memref_slice %arg2[%dma_start3A_25, %dma_start3A_26] : memref<32772x2048xf32, #tpu.memory_space<hbm>> -> memref<4x2048xf32, #tpu.memory_space<hbm>>
      %dma_start3A_28 = arith.constant 0 : i32
      %dma_start3A_29 = arith.constant 0 : i32
      %dma_start3A_30 = tpu.memref_slice %arg3[%dma_start3A, %dma_start3A_28, %dma_start3A_29] : memref<12x256x2048xf32, #tpu.memory_space<vmem>> -> memref<1x4x2048xf32, #tpu.memory_space<vmem>>
      %dma_start3A_31 = tpu.memref_squeeze %dma_start3A_30 : memref<1x4x2048xf32, #tpu.memory_space<vmem>> -> memref<4x2048xf32, #tpu.memory_space<vmem>>
      tpu.enqueue_dma source(%dma_start3A_31 : memref<4x2048xf32, #tpu.memory_space<vmem>>) target(%dma_start3A_27 : memref<4x2048xf32, #tpu.memory_space<hbm>>) target_semaphore(%dma_start3A_24 : memref<!tpu.dma_semaphore, #tpu.memory_space<semaphore_mem>>)
      %dma_wait3A = arith.constant 9 : i32
      %dma_wait3A_32 = arith.constant 9 : i32
      %dma_wait3A_33 = tpu.memref_slice %arg4[%dma_wait3A_32] : memref<12x!tpu.dma_semaphore, #tpu.memory_space<semaphore_mem>> -> memref<1x!tpu.dma_semaphore, #tpu.memory_space<semaphore_mem>>
      %dma_wait3A_34 = tpu.memref_squeeze %dma_wait3A_33 : memref<1x!tpu.dma_semaphore, #tpu.memory_space<semaphore_mem>> -> memref<!tpu.dma_semaphore, #tpu.memory_space<semaphore_mem>>
      %dma_wait3A_35 = arith.constant 29952 : i32
      %dma_wait3A_36 = arith.constant 0 : i32
      %dma_wait3A_37 = tpu.memref_slice %arg2[%dma_wait3A_35, %dma_wait3A_36] : memref<32772x2048xf32, #tpu.memory_space<hbm>> -> memref<256x2048xf32, #tpu.memory_space<hbm>>
      %dma_wait3A_38 = arith.constant 0 : i32
      %dma_wait3A_39 = arith.constant 0 : i32
      %dma_wait3A_40 = tpu.memref_slice %arg3[%dma_wait3A, %dma_wait3A_38, %dma_wait3A_39] : memref<12x256x2048xf32, #tpu.memory_space<vmem>> -> memref<1x256x2048xf32, #tpu.memory_space<vmem>>
      %dma_wait3A_41 = tpu.memref_squeeze %dma_wait3A_40 : memref<1x256x2048xf32, #tpu.memory_space<vmem>> -> memref<256x2048xf32, #tpu.memory_space<vmem>>
      tpu.wait_dma2 semaphore(%dma_wait3A_34 : memref<!tpu.dma_semaphore, #tpu.memory_space<semaphore_mem>>) src(%dma_wait3A_41 : memref<256x2048xf32, #tpu.memory_space<vmem>>) dst(%dma_wait3A_37 : memref<256x2048xf32, #tpu.memory_space<hbm>>)
      %dma_wait3A_42 = arith.constant 10 : i32
      %dma_wait3A_43 = arith.constant 10 : i32
      %dma_wait3A_44 = tpu.memref_slice %arg4[%dma_wait3A_43] : memref<12x!tpu.dma_semaphore, #tpu.memory_space<semaphore_mem>> -> memref<1x!tpu.dma_semaphore, #tpu.memory_space<semaphore_mem>>
      %dma_wait3A_45 = tpu.memref_squeeze %dma_wait3A_44 : memref<1x!tpu.dma_semaphore, #tpu.memory_space<semaphore_mem>> -> memref<!tpu.dma_semaphore, #tpu.memory_space<semaphore_mem>>
      %dma_wait3A_46 = arith.constant 30208 : i32
      %dma_wait3A_47 = arith.constant 0 : i32
      %dma_wait3A_48 = tpu.memref_slice %arg2[%dma_wait3A_46, %dma_wait3A_47] : memref<32772x2048xf32, #tpu.memory_space<hbm>> -> memref<256x2048xf32, #tpu.memory_space<hbm>>
      %dma_wait3A_49 = arith.constant 0 : i32
      %dma_wait3A_50 = arith.constant 0 : i32
      %dma_wait3A_51 = tpu.memref_slice %arg3[%dma_wait3A_42, %dma_wait3A_49, %dma_wait3A_50] : memref<12x256x2048xf32, #tpu.memory_space<vmem>> -> memref<1x256x2048xf32, #tpu.memory_space<vmem>>
      %dma_wait3A_52 = tpu.memref_squeeze %dma_wait3A_51 : memref<1x256x2048xf32, #tpu.memory_space<vmem>> -> memref<256x2048xf32, #tpu.memory_space<vmem>>
      tpu.wait_dma2 semaphore(%dma_wait3A_45 : memref<!tpu.dma_semaphore, #tpu.memory_space<semaphore_mem>>) src(%dma_wait3A_52 : memref<256x2048xf32, #tpu.memory_space<vmem>>) dst(%dma_wait3A_48 : memref<256x2048xf32, #tpu.memory_space<hbm>>)
      %dma_wait3A_53 = arith.constant 11 : i32
      %dma_wait3A_54 = arith.constant 11 : i32
      %dma_wait3A_55 = tpu.memref_slice %arg4[%dma_wait3A_54] : memref<12x!tpu.dma_semaphore, #tpu.memory_space<semaphore_mem>> -> memref<1x!tpu.dma_semaphore, #tpu.memory_space<semaphore_mem>>
      %dma_wait3A_56 = tpu.memref_squeeze %dma_wait3A_55 : memref<1x!tpu.dma_semaphore, #tpu.memory_space<semaphore_mem>> -> memref<!tpu.dma_semaphore, #tpu.memory_space<semaphore_mem>>
      %dma_wait3A_57 = arith.constant 30464 : i32
      %dma_wait3A_58 = arith.constant 0 : i32
      %dma_wait3A_59 = tpu.memref_slice %arg2[%dma_wait3A_57, %dma_wait3A_58] : memref<32772x2048xf32, #tpu.memory_space<hbm>> -> memref<256x2048xf32, #tpu.memory_space<hbm>>
      %dma_wait3A_60 = arith.constant 0 : i32
      %dma_wait3A_61 = arith.constant 0 : i32
      %dma_wait3A_62 = tpu.memref_slice %arg3[%dma_wait3A_53, %dma_wait3A_60, %dma_wait3A_61] : memref<12x256x2048xf32, #tpu.memory_space<vmem>> -> memref<1x256x2048xf32, #tpu.memory_space<vmem>>
      %dma_wait3A_63 = tpu.memref_squeeze %dma_wait3A_62 : memref<1x256x2048xf32, #tpu.memory_space<vmem>> -> memref<256x2048xf32, #tpu.memory_space<vmem>>
      tpu.wait_dma2 semaphore(%dma_wait3A_56 : memref<!tpu.dma_semaphore, #tpu.memory_space<semaphore_mem>>) src(%dma_wait3A_63 : memref<256x2048xf32, #tpu.memory_space<vmem>>) dst(%dma_wait3A_59 : memref<256x2048xf32, #tpu.memory_space<hbm>>)
      %dma_wait3A_64 = arith.constant 0 : i32
      %dma_wait3A_65 = arith.constant 0 : i32
      %dma_wait3A_66 = tpu.memref_slice %arg4[%dma_wait3A_65] : memref<12x!tpu.dma_semaphore, #tpu.memory_space<semaphore_mem>> -> memref<1x!tpu.dma_semaphore, #tpu.memory_space<semaphore_mem>>
      %dma_wait3A_67 = tpu.memref_squeeze %dma_wait3A_66 : memref<1x!tpu.dma_semaphore, #tpu.memory_space<semaphore_mem>> -> memref<!tpu.dma_semaphore, #tpu.memory_space<semaphore_mem>>
      %dma_wait3A_68 = arith.constant 30720 : i32
      %dma_wait3A_69 = arith.constant 0 : i32
      %dma_wait3A_70 = tpu.memref_slice %arg2[%dma_wait3A_68, %dma_wait3A_69] : memref<32772x2048xf32, #tpu.memory_space<hbm>> -> memref<256x2048xf32, #tpu.memory_space<hbm>>
      %dma_wait3A_71 = arith.constant 0 : i32
      %dma_wait3A_72 = arith.constant 0 : i32
      %dma_wait3A_73 = tpu.memref_slice %arg3[%dma_wait3A_64, %dma_wait3A_71, %dma_wait3A_72] : memref<12x256x2048xf32, #tpu.memory_space<vmem>> -> memref<1x256x2048xf32, #tpu.memory_space<vmem>>
      %dma_wait3A_74 = tpu.memref_squeeze %dma_wait3A_73 : memref<1x256x2048xf32, #tpu.memory_space<vmem>> -> memref<256x2048xf32, #tpu.memory_space<vmem>>
      tpu.wait_dma2 semaphore(%dma_wait3A_67 : memref<!tpu.dma_semaphore, #tpu.memory_space<semaphore_mem>>) src(%dma_wait3A_74 : memref<256x2048xf32, #tpu.memory_space<vmem>>) dst(%dma_wait3A_70 : memref<256x2048xf32, #tpu.memory_space<hbm>>)
      %dma_wait3A_75 = arith.constant 1 : i32
      %dma_wait3A_76 = arith.constant 1 : i32
      %dma_wait3A_77 = tpu.memref_slice %arg4[%dma_wait3A_76] : memref<12x!tpu.dma_semaphore, #tpu.memory_space<semaphore_mem>> -> memref<1x!tpu.dma_semaphore, #tpu.memory_space<semaphore_mem>>
      %dma_wait3A_78 = tpu.memref_squeeze %dma_wait3A_77 : memref<1x!tpu.dma_semaphore, #tpu.memory_space<semaphore_mem>> -> memref<!tpu.dma_semaphore, #tpu.memory_space<semaphore_mem>>
      %dma_wait3A_79 = arith.constant 30976 : i32
      %dma_wait3A_80 = arith.constant 0 : i32
      %dma_wait3A_81 = tpu.memref_slice %arg2[%dma_wait3A_79, %dma_wait3A_80] : memref<32772x2048xf32, #tpu.memory_space<hbm>> -> memref<256x2048xf32, #tpu.memory_space<hbm>>
      %dma_wait3A_82 = arith.constant 0 : i32
      %dma_wait3A_83 = arith.constant 0 : i32
      %dma_wait3A_84 = tpu.memref_slice %arg3[%dma_wait3A_75, %dma_wait3A_82, %dma_wait3A_83] : memref<12x256x2048xf32, #tpu.memory_space<vmem>> -> memref<1x256x2048xf32, #tpu.memory_space<vmem>>
      %dma_wait3A_85 = tpu.memref_squeeze %dma_wait3A_84 : memref<1x256x2048xf32, #tpu.memory_space<vmem>> -> memref<256x2048xf32, #tpu.memory_space<vmem>>
      tpu.wait_dma2 semaphore(%dma_wait3A_78 : memref<!tpu.dma_semaphore, #tpu.memory_space<semaphore_mem>>) src(%dma_wait3A_85 : memref<256x2048xf32, #tpu.memory_space<vmem>>) dst(%dma_wait3A_81 : memref<256x2048xf32, #tpu.memory_space<hbm>>)
      %dma_wait3A_86 = arith.constant 2 : i32
      %dma_wait3A_87 = arith.constant 2 : i32
      %dma_wait3A_88 = tpu.memref_slice %arg4[%dma_wait3A_87] : memref<12x!tpu.dma_semaphore, #tpu.memory_space<semaphore_mem>> -> memref<1x!tpu.dma_semaphore, #tpu.memory_space<semaphore_mem>>
      %dma_wait3A_89 = tpu.memref_squeeze %dma_wait3A_88 : memref<1x!tpu.dma_semaphore, #tpu.memory_space<semaphore_mem>> -> memref<!tpu.dma_semaphore, #tpu.memory_space<semaphore_mem>>
      %dma_wait3A_90 = arith.constant 31232 : i32
      %dma_wait3A_91 = arith.constant 0 : i32
      %dma_wait3A_92 = tpu.memref_slice %arg2[%dma_wait3A_90, %dma_wait3A_91] : memref<32772x2048xf32, #tpu.memory_space<hbm>> -> memref<256x2048xf32, #tpu.memory_space<hbm>>
      %dma_wait3A_93 = arith.constant 0 : i32
      %dma_wait3A_94 = arith.constant 0 : i32
      %dma_wait3A_95 = tpu.memref_slice %arg3[%dma_wait3A_86, %dma_wait3A_93, %dma_wait3A_94] : memref<12x256x2048xf32, #tpu.memory_space<vmem>> -> memref<1x256x2048xf32, #tpu.memory_space<vmem>>
      %dma_wait3A_96 = tpu.memref_squeeze %dma_wait3A_95 : memref<1x256x2048xf32, #tpu.memory_space<vmem>> -> memref<256x2048xf32, #tpu.memory_space<vmem>>
      tpu.wait_dma2 semaphore(%dma_wait3A_89 : memref<!tpu.dma_semaphore, #tpu.memory_space<semaphore_mem>>) src(%dma_wait3A_96 : memref<256x2048xf32, #tpu.memory_space<vmem>>) dst(%dma_wait3A_92 : memref<256x2048xf32, #tpu.memory_space<hbm>>)
      %dma_wait3A_97 = arith.constant 3 : i32
      %dma_wait3A_98 = arith.constant 3 : i32
      %dma_wait3A_99 = tpu.memref_slice %arg4[%dma_wait3A_98] : memref<12x!tpu.dma_semaphore, #tpu.memory_space<semaphore_mem>> -> memref<1x!tpu.dma_semaphore, #tpu.memory_space<semaphore_mem>>
      %dma_wait3A_100 = tpu.memref_squeeze %dma_wait3A_99 : memref<1x!tpu.dma_semaphore, #tpu.memory_space<semaphore_mem>> -> memref<!tpu.dma_semaphore, #tpu.memory_space<semaphore_mem>>
      %dma_wait3A_101 = arith.constant 31488 : i32
      %dma_wait3A_102 = arith.constant 0 : i32
      %dma_wait3A_103 = tpu.memref_slice %arg2[%dma_wait3A_101, %dma_wait3A_102] : memref<32772x2048xf32, #tpu.memory_space<hbm>> -> memref<256x2048xf32, #tpu.memory_space<hbm>>
      %dma_wait3A_104 = arith.constant 0 : i32
      %dma_wait3A_105 = arith.constant 0 : i32
      %dma_wait3A_106 = tpu.memref_slice %arg3[%dma_wait3A_97, %dma_wait3A_104, %dma_wait3A_105] : memref<12x256x2048xf32, #tpu.memory_space<vmem>> -> memref<1x256x2048xf32, #tpu.memory_space<vmem>>
      %dma_wait3A_107 = tpu.memref_squeeze %dma_wait3A_106 : memref<1x256x2048xf32, #tpu.memory_space<vmem>> -> memref<256x2048xf32, #tpu.memory_space<vmem>>
      tpu.wait_dma2 semaphore(%dma_wait3A_100 : memref<!tpu.dma_semaphore, #tpu.memory_space<semaphore_mem>>) src(%dma_wait3A_107 : memref<256x2048xf32, #tpu.memory_space<vmem>>) dst(%dma_wait3A_103 : memref<256x2048xf32, #tpu.memory_space<hbm>>)
      %dma_wait3A_108 = arith.constant 4 : i32
      %dma_wait3A_109 = arith.constant 4 : i32
      %dma_wait3A_110 = tpu.memref_slice %arg4[%dma_wait3A_109] : memref<12x!tpu.dma_semaphore, #tpu.memory_space<semaphore_mem>> -> memref<1x!tpu.dma_semaphore, #tpu.memory_space<semaphore_mem>>
      %dma_wait3A_111 = tpu.memref_squeeze %dma_wait3A_110 : memref<1x!tpu.dma_semaphore, #tpu.memory_space<semaphore_mem>> -> memref<!tpu.dma_semaphore, #tpu.memory_space<semaphore_mem>>
      %dma_wait3A_112 = arith.constant 31744 : i32
      %dma_wait3A_113 = arith.constant 0 : i32
      %dma_wait3A_114 = tpu.memref_slice %arg2[%dma_wait3A_112, %dma_wait3A_113] : memref<32772x2048xf32, #tpu.memory_space<hbm>> -> memref<256x2048xf32, #tpu.memory_space<hbm>>
      %dma_wait3A_115 = arith.constant 0 : i32
      %dma_wait3A_116 = arith.constant 0 : i32
      %dma_wait3A_117 = tpu.memref_slice %arg3[%dma_wait3A_108, %dma_wait3A_115, %dma_wait3A_116] : memref<12x256x2048xf32, #tpu.memory_space<vmem>> -> memref<1x256x2048xf32, #tpu.memory_space<vmem>>
      %dma_wait3A_118 = tpu.memref_squeeze %dma_wait3A_117 : memref<1x256x2048xf32, #tpu.memory_space<vmem>> -> memref<256x2048xf32, #tpu.memory_space<vmem>>
      tpu.wait_dma2 semaphore(%dma_wait3A_111 : memref<!tpu.dma_semaphore, #tpu.memory_space<semaphore_mem>>) src(%dma_wait3A_118 : memref<256x2048xf32, #tpu.memory_space<vmem>>) dst(%dma_wait3A_114 : memref<256x2048xf32, #tpu.memory_space<hbm>>)
      %dma_wait3A_119 = arith.constant 5 : i32
      %dma_wait3A_120 = arith.constant 5 : i32
      %dma_wait3A_121 = tpu.memref_slice %arg4[%dma_wait3A_120] : memref<12x!tpu.dma_semaphore, #tpu.memory_space<semaphore_mem>> -> memref<1x!tpu.dma_semaphore, #tpu.memory_space<semaphore_mem>>
      %dma_wait3A_122 = tpu.memref_squeeze %dma_wait3A_121 : memref<1x!tpu.dma_semaphore, #tpu.memory_space<semaphore_mem>> -> memref<!tpu.dma_semaphore, #tpu.memory_space<semaphore_mem>>
      %dma_wait3A_123 = arith.constant 32000 : i32
      %dma_wait3A_124 = arith.constant 0 : i32
      %dma_wait3A_125 = tpu.memref_slice %arg2[%dma_wait3A_123, %dma_wait3A_124] : memref<32772x2048xf32, #tpu.memory_space<hbm>> -> memref<256x2048xf32, #tpu.memory_space<hbm>>
      %dma_wait3A_126 = arith.constant 0 : i32
      %dma_wait3A_127 = arith.constant 0 : i32
      %dma_wait3A_128 = tpu.memref_slice %arg3[%dma_wait3A_119, %dma_wait3A_126, %dma_wait3A_127] : memref<12x256x2048xf32, #tpu.memory_space<vmem>> -> memref<1x256x2048xf32, #tpu.memory_space<vmem>>
      %dma_wait3A_129 = tpu.memref_squeeze %dma_wait3A_128 : memref<1x256x2048xf32, #tpu.memory_space<vmem>> -> memref<256x2048xf32, #tpu.memory_space<vmem>>
      tpu.wait_dma2 semaphore(%dma_wait3A_122 : memref<!tpu.dma_semaphore, #tpu.memory_space<semaphore_mem>>) src(%dma_wait3A_129 : memref<256x2048xf32, #tpu.memory_space<vmem>>) dst(%dma_wait3A_125 : memref<256x2048xf32, #tpu.memory_space<hbm>>)
      %dma_wait3A_130 = arith.constant 6 : i32
      %dma_wait3A_131 = arith.constant 6 : i32
      %dma_wait3A_132 = tpu.memref_slice %arg4[%dma_wait3A_131] : memref<12x!tpu.dma_semaphore, #tpu.memory_space<semaphore_mem>> -> memref<1x!tpu.dma_semaphore, #tpu.memory_space<semaphore_mem>>
      %dma_wait3A_133 = tpu.memref_squeeze %dma_wait3A_132 : memref<1x!tpu.dma_semaphore, #tpu.memory_space<semaphore_mem>> -> memref<!tpu.dma_semaphore, #tpu.memory_space<semaphore_mem>>
      %dma_wait3A_134 = arith.constant 32256 : i32
      %dma_wait3A_135 = arith.constant 0 : i32
      %dma_wait3A_136 = tpu.memref_slice %arg2[%dma_wait3A_134, %dma_wait3A_135] : memref<32772x2048xf32, #tpu.memory_space<hbm>> -> memref<256x2048xf32, #tpu.memory_space<hbm>>
      %dma_wait3A_137 = arith.constant 0 : i32
      %dma_wait3A_138 = arith.constant 0 : i32
      %dma_wait3A_139 = tpu.memref_slice %arg3[%dma_wait3A_130, %dma_wait3A_137, %dma_wait3A_138] : memref<12x256x2048xf32, #tpu.memory_space<vmem>> -> memref<1x256x2048xf32, #tpu.memory_space<vmem>>
      %dma_wait3A_140 = tpu.memref_squeeze %dma_wait3A_139 : memref<1x256x2048xf32, #tpu.memory_space<vmem>> -> memref<256x2048xf32, #tpu.memory_space<vmem>>
      tpu.wait_dma2 semaphore(%dma_wait3A_133 : memref<!tpu.dma_semaphore, #tpu.memory_space<semaphore_mem>>) src(%dma_wait3A_140 : memref<256x2048xf32, #tpu.memory_space<vmem>>) dst(%dma_wait3A_136 : memref<256x2048xf32, #tpu.memory_space<hbm>>)
      %dma_wait3A_141 = arith.constant 7 : i32
      %dma_wait3A_142 = arith.constant 7 : i32
      %dma_wait3A_143 = tpu.memref_slice %arg4[%dma_wait3A_142] : memref<12x!tpu.dma_semaphore, #tpu.memory_space<semaphore_mem>> -> memref<1x!tpu.dma_semaphore, #tpu.memory_space<semaphore_mem>>
      %dma_wait3A_144 = tpu.memref_squeeze %dma_wait3A_143 : memref<1x!tpu.dma_semaphore, #tpu.memory_space<semaphore_mem>> -> memref<!tpu.dma_semaphore, #tpu.memory_space<semaphore_mem>>
      %dma_wait3A_145 = arith.constant 32512 : i32
      %dma_wait3A_146 = arith.constant 0 : i32
      %dma_wait3A_147 = tpu.memref_slice %arg2[%dma_wait3A_145, %dma_wait3A_146] : memref<32772x2048xf32, #tpu.memory_space<hbm>> -> memref<256x2048xf32, #tpu.memory_space<hbm>>
      %dma_wait3A_148 = arith.constant 0 : i32
      %dma_wait3A_149 = arith.constant 0 : i32
      %dma_wait3A_150 = tpu.memref_slice %arg3[%dma_wait3A_141, %dma_wait3A_148, %dma_wait3A_149] : memref<12x256x2048xf32, #tpu.memory_space<vmem>> -> memref<1x256x2048xf32, #tpu.memory_space<vmem>>
      %dma_wait3A_151 = tpu.memref_squeeze %dma_wait3A_150 : memref<1x256x2048xf32, #tpu.memory_space<vmem>> -> memref<256x2048xf32, #tpu.memory_space<vmem>>
      tpu.wait_dma2 semaphore(%dma_wait3A_144 : memref<!tpu.dma_semaphore, #tpu.memory_space<semaphore_mem>>) src(%dma_wait3A_151 : memref<256x2048xf32, #tpu.memory_space<vmem>>) dst(%dma_wait3A_147 : memref<256x2048xf32, #tpu.memory_space<hbm>>)
      %dma_wait3A_152 = arith.constant 8 : i32
      %dma_wait3A_153 = arith.constant 8 : i32
      %dma_wait3A_154 = tpu.memref_slice %arg4[%dma_wait3A_153] : memref<12x!tpu.dma_semaphore, #tpu.memory_space<semaphore_mem>> -> memref<1x!tpu.dma_semaphore, #tpu.memory_space<semaphore_mem>>
      %dma_wait3A_155 = tpu.memref_squeeze %dma_wait3A_154 : memref<1x!tpu.dma_semaphore, #tpu.memory_space<semaphore_mem>> -> memref<!tpu.dma_semaphore, #tpu.memory_space<semaphore_mem>>
      %dma_wait3A_156 = arith.constant 32768 : i32
      %dma_wait3A_157 = arith.constant 0 : i32
      %dma_wait3A_158 = tpu.memref_slice %arg2[%dma_wait3A_156, %dma_wait3A_157] : memref<32772x2048xf32, #tpu.memory_space<hbm>> -> memref<4x2048xf32, #tpu.memory_space<hbm>>
      %dma_wait3A_159 = arith.constant 0 : i32
      %dma_wait3A_160 = arith.constant 0 : i32
      %dma_wait3A_161 = tpu.memref_slice %arg3[%dma_wait3A_152, %dma_wait3A_159, %dma_wait3A_160] : memref<12x256x2048xf32, #tpu.memory_space<vmem>> -> memref<1x4x2048xf32, #tpu.memory_space<vmem>>
      %dma_wait3A_162 = tpu.memref_squeeze %dma_wait3A_161 : memref<1x4x2048xf32, #tpu.memory_space<vmem>> -> memref<4x2048xf32, #tpu.memory_space<vmem>>
      tpu.wait_dma2 semaphore(%dma_wait3A_155 : memref<!tpu.dma_semaphore, #tpu.memory_space<semaphore_mem>>) src(%dma_wait3A_162 : memref<4x2048xf32, #tpu.memory_space<vmem>>) dst(%dma_wait3A_158 : memref<4x2048xf32, #tpu.memory_space<hbm>>)
    } else {
    }
    return
  }
  func.func @transform_0(%arg0: i32) -> (i32, i32) {
    %c0_i32 = arith.constant 0 : i32
    %c0_i32_0 = arith.constant 0 : i32
    return %arg0, %c0_i32 : i32, i32
  }
}

</mosaic_0001>

<sc_bundles>
// kernel: sparse-core-data-format-call.cloned.1.call-start
scs
called_computation_lowered:
.L_overlay_start_0:
0x0: {  	s2 =	sld [smem:$0x3FD9]  }
0x1: {  	s3 =	sld [smem:$0x3FFE];
	_ =	sdelay $0x1  }
0x2: {  	s1 =	srdreg.scid  }
0x3: {  	s0 =	sand.u32 $0x1, s1  }
0x4: {  	s18 =	sshll.u32 s0, $0xA;
	s2 =	sadd.s32 s3, s2  }
0x5: {  	s2 =	sadd.s32 s2, s18  }
0x6: {  	[smem:$0x3FC7] =	sst s2  }
0x7: {  	_ = 	snop  }
0x8: {  	s2 =	sld [smem:$0x3FD0];
	(tm) =	ssettm $0x1  }
0x9: {  	s19 =	sld [smem:$0x3FFB];
	_ =	sdelay $0x3  }
0xa: {  	_ =	strace s19  }
0xb: {  	s3 =	sld [smem:$0x3FFC];
	_ =	sdelay $0x3  }
0xc: {  	_ =	strace s3  }
0xd: {  	s3 =	sld [smem:$0x3FFD];
	_ =	sdelay $0x3  }
0xe: {  	_ =	strace s3  }
0xf: {  	_ =	strace $0x8FFFFFFF  }
0x10: {  	s20 =	sld [smem:$0x3FDB];
	_ =	sdelay $0x1  }
0x11: {  	s4 =	simm.s32 $_scs_section_size  }
0x12: {  	s5 =	simm.s32 $_size__tile_overlayer_lowered;
	s6 =	simm.s32 $_tile_overlayer_lowered  }
0x13: {  	s23 =	simm.s32 $0x1BFF;
	s22 =	sshll.u32 s6, $0x1;
	s3 =	sadd.s32 s4, s20  }
0x14: {  	s7 =	simm.s32 $0x0;
	s21 =	sshll.u32 s5, $0x1;
	s5 =	sadd.s32 s22, s3  }
0x15: {  	[timem:s7], [sflag:s23] =	dma.local [hbm:s5], s21  }
0x16: {  	_ =	swait.ge [sflag:s23], s21  }
0x17: {  	s4 =	ssub.s32 $0x0, s21;
	[sflag:s23] =	ssyncset.done $0x0  }
0x18: {  	[sflag:s23] =	ssyncadd.s32 s4;
	_ =	sdelay $0x1  }
0x19: {  	s24 =	simm.s32 $0x1B8B  }
0x1a: {  	_ =	swait.ge [sflag:s24], $0x1  }
0x1b: {  	[sflag:s24] =	ssyncset.done $0x0  }
0x1c: {  	s26 =	simm.s32 $0x1B8E;
	s25 =	sld [smem:$0x3FFE];
	[sflag:s24] =	ssyncadd.s32 $0xFFFFFFFF  }
0x1d: {  	s27 =	simm.s32 $execute0_lowered;
	[smem:$0x3FD2] =	sst s26  }
0x1e: {  	s5 =	sshll.u32 s27, $0x1;
	_ =	strace $0x80000046;
	[dreg:$0x1] =	wrdreg $0xFFFFFFFF  }
0x1f: {  	s28 =	simm.s32 $_size_execute0_lowered;
	s3 =	sadd.s32 s3, s5;
	[dreg:$0x0] =	wrdreg $0x0  }
0x20: {  	s5 =	sshll.u32 s28, $0x1;
	[dreg:$0x2] =	wrdreg s3  }
0x21: {  	[dreg:$0x3] =	wrdreg s5  }
0x22: {  	[dreg:$0x4] =	wrdreg $0xC0  }
0x23: {  	_ =	task [dreg:s7], $0x5FFFF  }
0x24: {  	[dreg:$0x1] =	wrdreg $0xFFFFFFFF  }
0x25: {  	[dreg:$0x0] =	wrdreg $0x60  }
0x26: {  	[dreg:$0x2] =	wrdreg s25  }
0x27: {  	[dreg:$0x3] =	wrdreg s2  }
0x28: {  	[dreg:$0x4] =	wrdreg $0x9  }
0x29: {  	_ =	task.clear_ibuf [dreg:s7], $0x5FFFF;
	_ =	strace $0x90000046  }
0x2a: {  	s29 =	simm.s32 $0x9;
	_ =	strace $0x80000048  }
0x2b: {  	_ =	swait.ge [sflag:s29], $0x1  }
0x2c: {  	[sflag:s29] =	ssyncadd.s32 $0xFFFFFFFF  }
0x2d: {  	_ =	strace $0x90000048  }
0x2e: {  	_ =	sfence  }
0x2f: {  	s30 =	sld [smem:$0x0];
	_ =	sdelay $0x2  }
0x30: {  	s31 =	sshll.u32 s1, $0xD;
	s1 =	sshrl.u32 s1, $0x2  }
0x31: {  	s3 =	sand.u32 $0x4000, s31;
	s1 =	sadd.s32 s1, s30  }
0x32: {  	s0 =	sor.u32 s3, s0;
	s1 =	sshll.u32 s1, $0x11  }
0x33: {  	s0 =	sor.u32 s1, s0  }
0x34: {  	s0 =	sadd.s32 $0x8F2B, s0  }
0x35: {  	[sflag:s0] =	ssyncadd.remote.s32 $0x1  }
0x36: {  	_ =	sfence.sel $0xFFFF  }
0x37: {  	[dreg:$0x0] =	wrdreg $0xFFFFFFFF;
	(pc) =	sbr.abs _section_cstart, $3  }
0x38: {  	[dreg:$0x1] =	wrdreg $0xFFFFFFFF  }
0x39: {  	_ =	task.clear_ibuf [dreg:s7], $0x2FFFF;
	_ =	strace $0x9FFFFFFF  }
0x3a: {  	(tm) =	ssettm $0x7FFFFFFF  }
0x3b: {  	_ =	shalt  }
tec
execute0_lowered:
.L_overlay_start_1:
0x0: {  	(tag) =	ssettag $0x1  }
0x1: {  	s0 =	stileid.u32  }
0x2: {  	s1 =	srdreg.scid;
	s7 =	rddreg [dreg:$0x0]  }
0x3: {  	s31 =	simm.s32 $0x2;
	s18 =	simm.s32 $0x0;
	s10 =	simm.s32 $0x800  }
0x4: {  	s11 =	simm.s32 $0x2000;
	s12 =	simm.s32 $0x0;
	s19 =	simm.s32 $0x0  }
0x5: {  	s20 =	simm.s32 $0x0;
	s2 =	sshll.u32 s0, $0x6;
	s1 =	sshll.u32 s1, $0xA  }
0x6: {  	s13 =	simm.s32 $0x0;
	s14 =	simm.s32 $0x0;
	s1 =	sor.u32 s2, s1  }
0x7: {  	s16 =	simm.s32 $0x0;
	s4 =	sshll.u32 s0, $0x3;
	s3 =	sand.u32 $0x600, s1  }
0x8: {  	s17 =	simm.s32 $0x0;
	s4 =	sand.u32 $0x38, s4;
	s5 =	ssub.s32 $0x800, s3  }
0x9: {  	s2 =	rddreg [dreg:$0x1];
	s8 =	ssub.s32 $0x2000, s4;
	s6 =	sand.u32 $0x600, s5  }
0xa: {  	s8 =	sshrl.u32 s8, $0x6;
	p0 =	sne.s32 s6, $0x0;
	s6 =	simm.s32 $0x1  }
.Ltmp0:
0xb: {  	s9 =	sshrl.u32 s5, $0xB;
	s6 =	simm.s32 @!p0 $0x0;
	(pc) =	sbr.rel .LBB1_1-.Ltmp0, $4  }
0xc: {  	s1 =	rddreg [dreg:$0x2];
	s8 =	sadd.s32 $0x1, s8;
	s6 =	sadd.s32 s6, s9  }
0xd: {  	_ =	strace $0x80000047;
	s5 =	simm.s32 $0x1;
	s6 =	smul.u32 s8, s6  }
0xe: {  	s7 =	sadd.s32 $0x800C00, s7;
	s15 =	smov.u32 s4;
	[sflag:s5] =	ssyncpa.u1 $0x0  }
0xf: {  	[sflag:s31] =	ssyncpa.u1 $0x0;
	s8 =	sshll.u32 s3, $0x3;
	s9 =	sadd.s32 $0x1, s6  }
.LBB1_7:
0x10: {  	p0 =	slt.u32 s17, $0x2  }
0x11: {  	p1 =	sgt.s32 @!p0 s18, $0x1FF9  }
0x12: {  	s20 =	smov.u32 s18;
	s21 =	sshra.s32 @!p0 s18, $0x1F;
	p1 =	por !p1, p0  }
0x13: {  	s18 =	sand.u32 @!p0 s21, s18;
	s21 =	ssub.s32 @!p0 $0x0, s19;
	s20 =	simm.s32 @p1 $0x1FF9  }
0x14: {  	s19 =	smin.u32 @!p0 s19, s21;
	s18 =	ssub.s32 @!p0 s20, s18  }
0x15: {  	s22 =	smov.u32 s16;
	p2 =	sgt.s32 @!p0 s19, $0x3;
	s20 =	sadd.s32 @!p0 $0xFFFFE007, s18  }
0x16: {  	s19 =	sshll.u32 @!p0 s19, $0x9;
	s18 =	ssub.s32 @!p0 $0x2001, s18;
	p1 =	sgt.s32 @!p0 s20, $0x7  }
0x17: {  	s19 =	ssub.s32 @!p0 $0x800, s19;
	p2 =	por !p2, p0;
	p1 =	por !p1, p0  }
0x18: {  	s21 =	sadd.s32 $0x40, s15;
	s19 =	simm.s32 @!p2 $0x0;
	s18 =	simm.s32 @!p1 $0x0  }
0x19: {  	p1 =	sgt.s32 s21, $0x2000;
	s18 =	smul.u32 @!p0 s18, s19;
	s19 =	sadd.s32 $0x4, s16  }
0x1a: {  	s22 =	smov.u32 @p1 s19  }
0x1b: {  	s21 =	smov.u32 @p1 s4;
	p1 =	sgt.s32 s22, $0x3  }
0x1c: {  	s12 =	sadd.s32 $0x4000, s12;
	s22 =	simm.s32 @p1 $0x0;
	p1 =	sne.s32 s17, s9  }
.Ltmp1:
0x1d: {  	s20 =	simm.s32 @!p0 $0x2;
	s18 =	sand.u32 @!p0 $0x3FFFFE00, s18;
	(pc) =	sbr.rel @!p1 .LBB1_8-.Ltmp1, $4  }
0x1e: {  	s19 =	smov.u32 s14;
	s14 =	smov.u32 s16;
	_ =	swait.ge @!p0 [sflag:s20], s18  }
0x1f: {  	s23 =	ssub.s32 @!p0 $0x0, s18;
	s18 =	smov.u32 s13;
	s17 =	sadd.s32 $0x1, s17  }
0x20: {  	s13 =	smov.u32 s15;
	s15 =	smov.u32 s21;
	[sflag:s20] =	ssyncset.done @!p0 $0x0  }
0x21: {  	s16 =	smov.u32 s22;
	[sflag:s20] =	ssyncadd.s32 @!p0 s23;
	s20 =	smov.u32 s3  }
.LBB1_1:
0x22: {  	p0 =	sge.u32 s17, s6  }
0x23: {  	s21 =	sshll.u32 @!p0 s15, $0xB  }
0x24: {  	s21 =	sand.u32 @!p0 $0xFFFFC000, s21  }
0x25: {  	s21 =	sor.u32 @!p0 s8, s21  }
0x26: {  	s21 =	sshrl.u32 @!p0 s21, $0xB  }
0x27: {  	s22 =	smulhi.u32 @!p0 $0xFFC01, s21;
	_ =	sdelay $0x1  }
0x28: {  	s22 =	sshrl.u32 @!p0 s22, $0x1  }
0x29: {  	s22 =	smul.u32 @!p0 $0x2008, s22  }
0x2a: {  	s31 =	sadd.s32 $0xFFFFFFFF, s17;
	s23 =	smul.u32 @!p0 $0x200800, s16  }
0x2b: {  	s24 =	sxor.u32 @!p0 $0xFFFFFFFF, s17;
	s21 =	ssub.s32 @!p0 s21, s22;
	s22 =	sshll.u32 @!p0 s15, $0x4  }
0x2c: {  	s24 =	sshll.u32 @!p0 s24, $0xE;
	s23 =	sadd.s32 @!p0 s7, s23;
	s22 =	sand.u32 @!p0 $0x70, s22  }
0x2d: {  	s24 =	sand.u32 @!p0 $0x4000, s24;
	s21 =	sshll.u32 @!p0 s21, $0x8;
	s22 =	sadd.s32 @!p0 s22, s23  }
0x2e: {  	s23 =	simm.s32 @!p0 $0x1004000;
	s21 =	sadd.s32 @!p0 s21, s22;
	s22 =	simm.s32 @!p0 $0x1000  }
0x2f: {  	[tilespmem:s24], [sflag:$0x1] =	stream.strided.gather @!p0 [hbm4b:s21+s22], $0x4000, s23, s22, $0x38;
	[tilespmem:$0x10000] =	vst v63  }
0x30: {  	p0 =	sge.u32 s31, s6  }
.Ltmp2:
0x31: {  	_ = 	snop;
	(pc) =	sbr.rel @p0 .LBB1_7-.Ltmp2, $1  }
0x32: {  	_ =	sdelay $0x3  }
0x33: {  	s21 =	sand.u32 $0x4000, s12;
	_ =	swait.ge [sflag:s5], $0x4000  }
0x34: {  	s24 =	sshll.u32 s17, $0xE;
	s25 =	simm.s32 $0x0;
	s26 =	simm.s32 $0x0  }
0x35: {  	s22 =	sor.u32 $0x8400, s21;
	[sflag:s5] =	ssyncset.done $0x0;
	s24 =	sand.u32 $0x4000, s24  }
0x36: {  	s23 =	sor.u32 $0x810, s21;
	[sflag:s5] =	ssyncadd.s32 $0xFFFFC000;
	s21 =	sor.u32 $0x8000, s24  }
.LBB1_3:
0x37: {  	v4 =	vld [tilespmem:s23+$0xFFFFF7F0]  }
0x38: {  	v5 =	vld [tilespmem:s23+$0xFFFFF800]  }
0x39: {  	s27 =	sshll.u32 s26, $0xC;
	v6 =	vld [tilespmem:s23+$0xFFFFF810]  }
0x3a: {  	v0 =	vmov s27  }
0x3b: {  	v7 =	vld [tilespmem:s23+$0xFFFFF820]  }
0x3c: {  	s27 =	sand.u32 $0x200, s25;
	[tilespmem:s22+$0xFFFFFC00] =	vst v4;
	v4 =	vld [tilespmem:s23+$0xFFFFF860]  }
0x3d: {  	s28 =	sand.u32 $0x180, s25;
	s27 =	sadd.s32 s27, s24;
	[tilespmem:s22+$0xFFFFFC10] =	vst v5;
	v5 =	vld [tilespmem:s23+$0xFFFFFC00]  }
0x3e: {  	s27 =	sadd.s32 s28, s27;
	[tilespmem:s22+$0xFFFFFC20] =	vst v6;
	v6 =	vld [tilespmem:s23+$0xFFFFFC10]  }
0x3f: {  	v1 =	vld.idx.msk [tilespmem:v0+s27+$0xC00 ss:$0x1], $0xffff  }
0x40: {  	v2 =	vld.idx.msk [tilespmem:v0+s27+$0x400 ss:$0x1], $0xffff  }
0x41: {  	[tilespmem:s22+$0xFFFFFC30] =	vst v7;
	v3 =	vld.idx.msk [tilespmem:v0+s27+$0x800 ss:$0x1], $0xffff  }
0x42: {  	v7 =	vld [tilespmem:s23+$0x40];
	[tilespmem:s22+$0xFFFFFC70] =	vst v4  }
0x43: {  	v4 =	vld [tilespmem:s23+$0xFFFFFC50];
	[tilespmem:s22+$0xFFFFFE10] =	vst v5  }
0x44: {  	[tilespmem:s22+$0x200] =	vst v1;
	v1 =	vld [tilespmem:s23+$0xFFFFF830]  }
0x45: {  	[tilespmem:s22+$0xFFFFFE00] =	vst v2;
	v2 =	vld [tilespmem:s23+$0xFFFFF840]  }
0x46: {  	[tilespmem:s22+$0x0] =	vst v3;
	v3 =	vld [tilespmem:s23+$0xFFFFF850]  }
0x47: {  	v5 =	vld [tilespmem:s23+$0xFFFFFC60];
	[tilespmem:s22+$0xFFFFFE20] =	vst v6  }
0x48: {  	v6 =	vld [tilespmem:s23+$0x0];
	[tilespmem:s22+$0x50] =	vst v7  }
0x49: {  	[tilespmem:s22+$0xFFFFFC40] =	vst v1;
	v1 =	vld [tilespmem:s23+$0xFFFFFC20]  }
0x4a: {  	[tilespmem:s22+$0xFFFFFC50] =	vst v2;
	v2 =	vld [tilespmem:s23+$0xFFFFFC30]  }
0x4b: {  	[tilespmem:s22+$0xFFFFFC60] =	vst v3;
	v3 =	vld [tilespmem:s23+$0xFFFFFC40]  }
0x4c: {  	[tilespmem:s22+$0xFFFFFE70] =	vst v5;
	v5 =	vld [tilespmem:s23+$0x50]  }
0x4d: {  	[tilespmem:s22+$0x10] =	vst v6;
	v6 =	vld [tilespmem:s23+$0x60]  }
0x4e: {  	[tilespmem:s22+$0xFFFFFE30] =	vst v1;
	v1 =	vld [tilespmem:s23+$0x10]  }
0x4f: {  	[tilespmem:s22+$0xFFFFFE40] =	vst v2;
	v2 =	vld [tilespmem:s23+$0x20]  }
0x50: {  	[tilespmem:s22+$0xFFFFFE50] =	vst v3;
	v3 =	vld [tilespmem:s23+$0x30]  }
0x51: {  	[tilespmem:s22+$0xFFFFFE60] =	vst v4;
	v4 =	vld [tilespmem:s23+$0x400]  }
0x52: {  	[tilespmem:s22+$0x60] =	vst v5;
	v5 =	vld [tilespmem:s23+$0x440]  }
0x53: {  	[tilespmem:s22+$0x20] =	vst v1;
	v1 =	vld [tilespmem:s23+$0x410]  }
0x54: {  	s30 =	simm.s32 $0x80;
	s29 =	simm.s32 $0x100;
	[tilespmem:s22+$0x30] =	vst v2;
	v2 =	vld [tilespmem:s23+$0x420]  }
0x55: {  	s31 =	sand.u32 $0x200, s30;
	s28 =	smov.u32 s23;
	s27 =	smov.u32 s22;
	[tilespmem:s22+$0x40] =	vst v3;
	v3 =	vld [tilespmem:s23+$0x430]  }
.LBB1_4:
0x56: {  	p0 =	sne.s32 s29, $0x380;
	s30 =	sand.u32 $0x180, s30;
	s31 =	sadd.s32 s31, s24;
	[tilespmem:s27+$0x70] =	vst v6;
	v6 =	vld [tilespmem:s28+$0x450]  }
0x57: {  	s31 =	sadd.s32 s30, s31;
	[tilespmem:s27+$0x210] =	vst v4;
	v4 =	vld [tilespmem:s28+$0x460];
	s30 =	smov.u32 s29  }
0x58: {  	v7 =	vld.idx.msk [tilespmem:v0+s31+$0xC00 ss:$0x1], $0xffff;
	[tilespmem:s27+$0x220] =	vst v1  }
0x59: {  	v1 =	vld.idx.msk [tilespmem:v0+s31+$0x400 ss:$0x1], $0xffff;
	[tilespmem:s27+$0x230] =	vst v2  }
0x5a: {  	s28 =	sadd.s32 $0x80, s28;
	v2 =	vld.idx.msk [tilespmem:v0+s31+$0x800 ss:$0x1], $0xffff;
	[tilespmem:s27+$0x240] =	vst v3  }
0x5b: {  	v3 =	vld [tilespmem:s28+$0xFFFFF7F0];
	[tilespmem:s27+$0x250] =	vst v5  }
0x5c: {  	v5 =	vld [tilespmem:s28+$0xFFFFF800];
	[tilespmem:s27+$0x260] =	vst v6  }
0x5d: {  	v6 =	vld [tilespmem:s28+$0xFFFFF810];
	[tilespmem:s27+$0x270] =	vst v4;
	s27 =	sadd.s32 $0x800, s27  }
0x5e: {  	v4 =	vld [tilespmem:s28+$0xFFFFF820];
	[tilespmem:s27+$0x200] =	vst v7  }
0x5f: {  	v7 =	vld [tilespmem:s28+$0xFFFFF830];
	[tilespmem:s27+$0xFFFFFE00] =	vst v1  }
0x60: {  	v1 =	vld [tilespmem:s28+$0xFFFFF840];
	[tilespmem:s27+$0x0] =	vst v2  }
0x61: {  	[tilespmem:s27+$0xFFFFFC00] =	vst v3;
	v2 =	vld [tilespmem:s28+$0xFFFFF850]  }
0x62: {  	[tilespmem:s27+$0xFFFFFC10] =	vst v5;
	v3 =	vld [tilespmem:s28+$0xFFFFF860]  }
0x63: {  	[tilespmem:s27+$0xFFFFFC20] =	vst v6;
	v5 =	vld [tilespmem:s28+$0xFFFFFC00]  }
0x64: {  	[tilespmem:s27+$0xFFFFFC30] =	vst v4;
	v4 =	vld [tilespmem:s28+$0xFFFFFC10]  }
0x65: {  	[tilespmem:s27+$0xFFFFFC40] =	vst v7;
	v6 =	vld [tilespmem:s28+$0xFFFFFC20]  }
0x66: {  	[tilespmem:s27+$0xFFFFFC50] =	vst v1;
	v1 =	vld [tilespmem:s28+$0xFFFFFC30]  }
0x67: {  	[tilespmem:s27+$0xFFFFFC60] =	vst v2;
	v2 =	vld [tilespmem:s28+$0xFFFFFC40]  }
0x68: {  	[tilespmem:s27+$0xFFFFFC70] =	vst v3;
	v3 =	vld [tilespmem:s28+$0xFFFFFC50]  }
0x69: {  	[tilespmem:s27+$0xFFFFFE10] =	vst v5;
	v5 =	vld [tilespmem:s28+$0xFFFFFC60]  }
0x6a: {  	[tilespmem:s27+$0xFFFFFE20] =	vst v4;
	v4 =	vld [tilespmem:s28+$0x0]  }
0x6b: {  	[tilespmem:s27+$0xFFFFFE30] =	vst v6;
	v7 =	vld [tilespmem:s28+$0x10]  }
0x6c: {  	[tilespmem:s27+$0xFFFFFE40] =	vst v1;
	v1 =	vld [tilespmem:s28+$0x20]  }
0x6d: {  	[tilespmem:s27+$0xFFFFFE50] =	vst v2;
	v2 =	vld [tilespmem:s28+$0x30]  }
0x6e: {  	[tilespmem:s27+$0xFFFFFE60] =	vst v3;
	v3 =	vld [tilespmem:s28+$0x40]  }
0x6f: {  	[tilespmem:s27+$0xFFFFFE70] =	vst v5;
	v5 =	vld [tilespmem:s28+$0x50]  }
0x70: {  	[tilespmem:s27+$0x10] =	vst v4;
	v6 =	vld [tilespmem:s28+$0x60]  }
.Ltmp3:
0x71: {  	[tilespmem:s27+$0x20] =	vst v7;
	v4 =	vld [tilespmem:s28+$0x400];
	(pc) =	sbr.rel @p0 .LBB1_4-.Ltmp3, $4  }
0x72: {  	[tilespmem:s27+$0x30] =	vst v1;
	v1 =	vld [tilespmem:s28+$0x410]  }
0x73: {  	[tilespmem:s27+$0x40] =	vst v2;
	v2 =	vld [tilespmem:s28+$0x420]  }
0x74: {  	[tilespmem:s27+$0x50] =	vst v3;
	v3 =	vld [tilespmem:s28+$0x430]  }
0x75: {  	s29 =	sadd.s32 $0x80, s29;
	s31 =	sand.u32 $0x200, s30;
	[tilespmem:s27+$0x60] =	vst v5;
	v5 =	vld [tilespmem:s28+$0x440]  }
0x76: {  	[tilespmem:s27+$0x70] =	vst v6  }
0x77: {  	v30 =	vld [tilespmem:s28+$0x450];
	[tilespmem:s27+$0x210] =	vst v4  }
0x78: {  	s29 =	sand.u32 $0x180, s30;
	v31 =	vld [tilespmem:s28+$0x460];
	s30 =	sadd.s32 $0x80, s28;
	[tilespmem:s27+$0x220] =	vst v1  }
0x79: {  	v35 =	vld [tilespmem:s30+$0xFFFFF7F0];
	[tilespmem:s27+$0x230] =	vst v2  }
0x7a: {  	v36 =	vld [tilespmem:s30+$0xFFFFF800];
	[tilespmem:s27+$0x240] =	vst v3  }
0x7b: {  	v37 =	vld [tilespmem:s30+$0xFFFFF810];
	[tilespmem:s27+$0x250] =	vst v5  }
0x7c: {  	s31 =	sadd.s32 s31, s24;
	v38 =	vld [tilespmem:s30+$0xFFFFF820];
	[tilespmem:s27+$0x260] =	vst v30  }
0x7d: {  	s29 =	sadd.s32 s29, s31;
	s31 =	sadd.s32 $0x800, s27;
	v39 =	vld [tilespmem:s30+$0xFFFFF830];
	[tilespmem:s27+$0x270] =	vst v31  }
0x7e: {  	v40 =	vld [tilespmem:s30+$0xFFFFF840];
	[tilespmem:s31+$0xFFFFFC00] =	vst v35  }
0x7f: {  	v41 =	vld [tilespmem:s30+$0xFFFFF850];
	[tilespmem:s31+$0xFFFFFC10] =	vst v36  }
0x80: {  	v42 =	vld [tilespmem:s30+$0xFFFFF860];
	[tilespmem:s31+$0xFFFFFC20] =	vst v37  }
0x81: {  	v43 =	vld [tilespmem:s30+$0xFFFFFC00];
	[tilespmem:s31+$0xFFFFFC30] =	vst v38  }
0x82: {  	v44 =	vld [tilespmem:s30+$0xFFFFFC10];
	[tilespmem:s31+$0xFFFFFC40] =	vst v39  }
0x83: {  	v45 =	vld [tilespmem:s30+$0xFFFFFC20];
	[tilespmem:s31+$0xFFFFFC50] =	vst v40  }
0x84: {  	v46 =	vld [tilespmem:s30+$0xFFFFFC30];
	[tilespmem:s31+$0xFFFFFC60] =	vst v41  }
0x85: {  	v47 =	vld [tilespmem:s30+$0xFFFFFC40];
	[tilespmem:s31+$0xFFFFFC70] =	vst v42  }
0x86: {  	v48 =	vld [tilespmem:s30+$0xFFFFFC50];
	[tilespmem:s31+$0xFFFFFE10] =	vst v43  }
0x87: {  	v49 =	vld [tilespmem:s30+$0xFFFFFC60];
	[tilespmem:s31+$0xFFFFFE20] =	vst v44  }
0x88: {  	v50 =	vld [tilespmem:s30+$0x0];
	[tilespmem:s31+$0xFFFFFE30] =	vst v45  }
0x89: {  	v51 =	vld [tilespmem:s30+$0x10];
	[tilespmem:s31+$0xFFFFFE40] =	vst v46  }
0x8a: {  	v52 =	vld [tilespmem:s30+$0x20];
	[tilespmem:s31+$0xFFFFFE50] =	vst v47  }
0x8b: {  	v53 =	vld [tilespmem:s30+$0x30];
	[tilespmem:s31+$0xFFFFFE60] =	vst v48  }
0x8c: {  	v54 =	vld [tilespmem:s30+$0x40];
	[tilespmem:s31+$0xFFFFFE70] =	vst v49  }
0x8d: {  	v55 =	vld [tilespmem:s30+$0x50];
	[tilespmem:s31+$0x10] =	vst v50  }
0x8e: {  	v56 =	vld [tilespmem:s30+$0x60];
	[tilespmem:s31+$0x20] =	vst v51  }
0x8f: {  	v57 =	vld [tilespmem:s30+$0x400];
	[tilespmem:s31+$0x30] =	vst v52  }
0x90: {  	v58 =	vld [tilespmem:s30+$0x410];
	[tilespmem:s31+$0x40] =	vst v53  }
0x91: {  	v59 =	vld [tilespmem:s30+$0x420];
	[tilespmem:s31+$0x50] =	vst v54  }
0x92: {  	v60 =	vld [tilespmem:s30+$0x430];
	[tilespmem:s31+$0x60] =	vst v55  }
0x93: {  	v61 =	vld [tilespmem:s30+$0x440];
	[tilespmem:s31+$0x70] =	vst v56  }
0x94: {  	v62 =	vld [tilespmem:s30+$0x450];
	[tilespmem:s31+$0x210] =	vst v57  }
0x95: {  	v63 =	vld [tilespmem:s30+$0x460];
	[tilespmem:s31+$0x220] =	vst v58  }
0x96: {  	v32 =	vld.idx.msk [tilespmem:v0+s29+$0xC00 ss:$0x1], $0xffff;
	[tilespmem:s31+$0x230] =	vst v59  }
0x97: {  	s26 =	sadd.s32 $0x1, s26;
	v33 =	vld.idx.msk [tilespmem:v0+s29+$0x400 ss:$0x1], $0xffff;
	[tilespmem:s31+$0x240] =	vst v60  }
0x98: {  	p0 =	sne.s32 s26, $0x4;
	v34 =	vld.idx.msk [tilespmem:v0+s29+$0x800 ss:$0x1], $0xffff;
	[tilespmem:s31+$0x250] =	vst v61  }
.Ltmp4:
0x99: {  	[tilespmem:s31+$0x260] =	vst v62;
	(pc) =	sbr.rel @p0 .LBB1_3-.Ltmp4, $4  }
0x9a: {  	[tilespmem:s31+$0x270] =	vst v63  }
0x9b: {  	[tilespmem:s31+$0x200] =	vst v32  }
0x9c: {  	[tilespmem:s31+$0xFFFFFE00] =	vst v33  }
0x9d: {  	s22 =	sadd.s32 $0x80, s22;
	s23 =	sadd.s32 $0x1000, s23;
	[tilespmem:s31+$0x0] =	vst v34  }
0x9e: {  	p0 =	sgt.s32 s13, $0x1FF9;
	s22 =	smov.u32 s13;
	s23 =	sshra.s32 s13, $0x1F  }
0x9f: {  	s22 =	simm.s32 @!p0 $0x1FF9;
	s23 =	sand.u32 s23, s13  }
0xa0: {  	s28 =	ssub.s32 $0x0, s14;
	s22 =	ssub.s32 s22, s23  }
0xa1: {  	s30 =	sshll.u32 s13, $0xA;
	s23 =	smin.u32 s14, s28;
	s24 =	sadd.s32 $0xFFFFE007, s22  }
0xa2: {  	s22 =	ssub.s32 $0x2001, s22;
	s29 =	sshll.u32 s23, $0x9;
	p0 =	sgt.s32 s24, $0x7  }
0xa3: {  	s22 =	simm.s32 @p0 $0x0;
	p0 =	sgt.s32 s23, $0x3;
	s23 =	ssub.s32 $0x800, s29  }
.Ltmp5:
0xa4: {  	s25 =	sshll.u32 s14, $0x4;
	s23 =	simm.s32 @p0 $0x0;
	(pc) =	sbr.rel .LBB1_7-.Ltmp5, $4  }
0xa5: {  	s31 =	sand.u32 $0x30, s25;
	s24 =	sadd.s32 s2, s30;
	s22 =	smul.u32 s22, s23  }
0xa6: {  	s20 =	sshrl.u32 s20, $0x1;
	s23 =	sadd.s32 s31, s24  }
0xa7: {  	s20 =	sadd.s32 s20, s23;
	s22 =	sand.u32 $0x3FFFFE00, s22  }
0xa8: {  	[hbm4b:s20+s10] =	stream.strided.scatter [tilespmem:s21], [sflag:$0x2], s22, s11, s10, $0x38;
	[tilespmem:$0x10000] =	vst v63  }
.LBB1_8:
0xa9: {  	_ =	sfence.sel $0x180000  }
0xaa: {  	s2 =	simm.s32 $0x1;
	[bflag:$0x0] =	sbarrier.arrive $0xFFFF  }
0xab: {  	s31 =	simm.s32 $0x2;
	[sflag:s2] =	ssyncpa.u1 $0x1  }
0xac: {  	[sflag:s31] =	ssyncpa.u1 $0x1  }
0xad: {  	p0 =	sne.s32 s0, $0x0;
	_ =	strace $0x90000047  }
0xae: {  	s0 =	sadd.s32 @!p0 $0x100000, s1;
	[bflag:$0x2] =	sbarrier.arrive $0xFFFF  }
0xaf: {  	[sflag:s0] =	ssyncadd.tile.s32 @!p0 $0x1;
	_ =	shalt  }
.Lfunc_end1:
_tile_overlayer_lowered:
.L_overlay_start_2:
0xb0: {  	(tag) =	ssettag $0x2  }
0xb1: {  	s0 =	rddreg [dreg:$0x0];
	s2 =	stileid.u32  }
0xb2: {  	s1 =	rddreg [dreg:$0x1];
	p0 =	sne.s32 s2, $0x0  }
0xb3: {  	s3 =	rddreg [dreg:$0x2];
	[bflag:$0x3] =	sbarrier.arrive $0xFFFF;
	s2 =	simm.s32 @!p0 $0x1C01  }
0xb4: {  	[timem:s3], [sflag:s2] =	dma.local @!p0 [hbm:s0], s1  }
0xb5: {  	s0 =	simm.s32 @!p0 $0x1  }
0xb6: {  	_ =	swait.ge @!p0 [sflag:s0], s1  }
0xb7: {  	s1 =	ssub.s32 @!p0 $0x0, s1;
	[sflag:s0] =	ssyncset.done @!p0 $0x0  }
0xb8: {  	[sflag:s0] =	ssyncadd.s32 @!p0 s1  }
0xb9: {  	[bflag:$0x3] =	sbarrier.arrive $0xFFFF  }
0xba: {  	_ =	shalt  }

</sc_bundles>
